<compile_context>
chip_gen: v7x
topology: tpu7x:2x2x1
jax: 0.10.2.dev20260603
libtpu: 0.0.44.dev20260713+nightly
codegen_flags: <defaults>
</compile_context>

<pallas_src>
import functools

import jax
import jax.numpy as jnp
from jax import lax
from jax.experimental import pallas as pl
from jax.experimental.pallas import tpu as pltpu
from jax.experimental.pallas import tpu_sc as plsc

_BANK = 100000
_DIM = 128
_BATCH = 16384

_BLK = 8192
_NB = (_BANK + _BLK - 1) // _BLK
_SPLIT = _BATCH // _BLK


def _fb_body(feat_ref, bank_ref, out_fb_ref):
    i = pl.program_id(0)

    @pl.when(i < _SPLIT)
    def _():
        out_fb_ref[...] = feat_ref[...]

    @pl.when(i >= _SPLIT)
    def _():
        out_fb_ref[...] = bank_ref[...]


def _fb_copy(features, feature_bank):
    return pl.pallas_call(
        _fb_body,
        grid=(_NB,),
        in_specs=[
            pl.BlockSpec((_BLK, _DIM), lambda i: (jnp.minimum(i, _SPLIT - 1), 0)),
            pl.BlockSpec((_BLK, _DIM), lambda i: (jnp.maximum(i, _SPLIT), 0)),
        ],
        out_specs=pl.BlockSpec((_BLK, _DIM), lambda i: (i, 0)),
        out_shape=jax.ShapeDtypeStruct((_BANK, _DIM), feature_bank.dtype),
    )(features, feature_bank)


_LCHUNK = 4000
_NCHUNK = _BANK // _LCHUNK
_LSPLIT = _BATCH // _LCHUNK
_LOFF = _BATCH - _LSPLIT * _LCHUNK


def _lb_body(lab_hbm, lbank_hbm, out_hbm, buf):
    wid = lax.axis_index("s") * 2 + lax.axis_index("c")
    base = wid * _LCHUNK

    @pl.when(wid < _LSPLIT)
    def _():
        pltpu.sync_copy(lab_hbm.at[pl.ds(base, _LCHUNK)], buf)
        pltpu.sync_copy(buf, out_hbm.at[pl.ds(base, _LCHUNK)])

    @pl.when(wid == _LSPLIT)
    def _():
        pltpu.sync_copy(lab_hbm.at[pl.ds(base, _LOFF)], buf.at[pl.ds(0, _LOFF)])
        pltpu.sync_copy(lbank_hbm.at[pl.ds(base + _LOFF, _LCHUNK - _LOFF)],
                        buf.at[pl.ds(_LOFF, _LCHUNK - _LOFF)])
        pltpu.sync_copy(buf, out_hbm.at[pl.ds(base, _LCHUNK)])

    @pl.when(jnp.logical_and(wid > _LSPLIT, wid < _NCHUNK))
    def _():
        pltpu.sync_copy(lbank_hbm.at[pl.ds(base, _LCHUNK)], buf)
        pltpu.sync_copy(buf, out_hbm.at[pl.ds(base, _LCHUNK)])


def _lb_copy(labels, label_bank):
    run = functools.partial(
        pl.kernel,
        out_type=jax.ShapeDtypeStruct((_BANK,), label_bank.dtype),
        mesh=plsc.VectorSubcoreMesh(core_axis_name="c", subcore_axis_name="s"),
        scratch_types=[pltpu.VMEM((_LCHUNK,), label_bank.dtype)],
    )(_lb_body)
    return run(labels, label_bank)


def kernel(features, labels, feature_bank, label_bank):
    out_lb = _lb_copy(labels, label_bank)
    out_fb = _fb_copy(features, feature_bank)
    return out_fb, out_lb

# --- scband reference (transcript-rebuilt; emitter-appended) ---
"""Pipeline reference for scband-memory-bank-67310727463111 (READ-ONLY COPY).

The authoritative reference and input builder live on the scoring server;
editing this copy changes nothing except your own understanding.
"""

import jax, jax.numpy as jnp
import numpy as np

MEMORY_BANK_SIZE = 100000
FEATURE_DIM = 128
BATCH = 16384
PTR = 0  # fresh module, ptr starts at 0


def setup_inputs(seed: int = 0) -> dict:
    key = jax.random.key(seed)
    k1, k2, k3, k4 = jax.random.split(key, 4)
    features = jax.random.normal(k1, (BATCH, FEATURE_DIM), dtype=jnp.float32)
    labels = jax.random.randint(k2, (BATCH,), 0, 1000, dtype=jnp.int64)
    # registered buffers (initialized with randn in torch)
    feature_bank = jax.random.normal(k3, (MEMORY_BANK_SIZE, FEATURE_DIM), dtype=jnp.float32)
    label_bank = jax.random.randint(k4, (MEMORY_BANK_SIZE,), 0, 1000, dtype=jnp.int64)
    return {"features": features, "labels": labels, "feature_bank": feature_bank, "label_bank": label_bank}


def reference(features, labels, feature_bank, label_bank):
    # Faithful functional translation of MemoryBank.update with ptr=0.
    batch_size = features.shape[0]
    ptr = PTR
    if ptr + batch_size <= MEMORY_BANK_SIZE:
        idx = jnp.arange(batch_size) + ptr
        new_feature_bank = feature_bank.at[idx].set(features)
        new_label_bank = label_bank.at[idx].set(labels)
    else:
        remaining = MEMORY_BANK_SIZE - ptr
        idx_tail = jnp.arange(remaining) + ptr
        idx_head = jnp.arange(batch_size - remaining)
        new_feature_bank = feature_bank.at[idx_tail].set(features[:remaining])
        new_feature_bank = new_feature_bank.at[idx_head].set(features[remaining:])
        new_label_bank = label_bank.at[idx_tail].set(labels[:remaining])
        new_label_bank = new_label_bank.at[idx_head].set(labels[remaining:])
    return new_feature_bank, new_label_bank

if __name__ == "__main__":
    import jax
    _d = setup_inputs()
    print(jax.jit(kernel)(*tuple(_d.values())))

</pallas_src>

<mosaic_0001>
#map = affine_map<(d0, d1) -> (0)>
module attributes {stable_mosaic.version = 14 : i64} {
  func.func @_lb_body(%arg0: i32, %arg1: i32, %arg2: memref<16384xi32, #tpu.memory_space<hbm>>, %arg3: memref<100000xi32, #tpu.memory_space<hbm>>, %arg4: memref<100000xi32, #tpu.memory_space<hbm>>, %arg5: memref<4000xi32, #tpu.memory_space<vmem>>) attributes {dimension_semantics = [#tpu.dimension_semantics<core_parallel>, #tpu.dimension_semantics<subcore_parallel>], iteration_bounds = array<i64: 2, 16>, scalar_prefetch = 0 : i64, scratch_operands = 1 : i64, tpu.core_type = #tpu.core_type<sc_vector_subcore>, window_params = [{transform_indices = #map}, {transform_indices = #map}, {transform_indices = #map}]} {
    %mul3A = arith.constant 2 : i32
    %mul3A_0 = arith.muli %arg1, %mul3A : i32
    %add3A = arith.addi %mul3A_0, %arg0 : i32
    %mul3A_1 = arith.constant 4000 : i32
    %mul3A_2 = arith.muli %add3A, %mul3A_1 : i32
    %lt3A = arith.constant 4 : i32
    %lt3A_3 = arith.cmpi slt, %add3A, %lt3A : i32
    %convert_element_type3A = arith.extui %lt3A_3 : i1 to i32
    %cond3A = arith.constant 0 : i32
    %cond3A_4 = arith.cmpi ne, %convert_element_type3A, %cond3A : i32
    scf.if %cond3A_4 {
      "tpu.region"() ({
        %run_scoped3A = tpu.sem_alloc : memref<!tpu.dma_semaphore, #tpu.memory_space<semaphore_mem>>
        %dma_start3A = tpu.memref_slice %arg2[%mul3A_2] : memref<16384xi32, #tpu.memory_space<hbm>> -> memref<4000xi32, #tpu.memory_space<hbm>>
        %dma_start3A_15 = tpu.memref_slice %arg2[%mul3A_2] : memref<16384xi32, #tpu.memory_space<hbm>> -> memref<4000xi32, #tpu.memory_space<hbm>>
        tpu.enqueue_dma source(%dma_start3A_15 : memref<4000xi32, #tpu.memory_space<hbm>>) target(%arg5 : memref<4000xi32, #tpu.memory_space<vmem>>) target_semaphore(%run_scoped3A : memref<!tpu.dma_semaphore, #tpu.memory_space<semaphore_mem>>)
        %dma_wait3A = tpu.memref_slice %arg2[%mul3A_2] : memref<16384xi32, #tpu.memory_space<hbm>> -> memref<4000xi32, #tpu.memory_space<hbm>>
        %dma_wait3A_16 = tpu.memref_slice %arg2[%mul3A_2] : memref<16384xi32, #tpu.memory_space<hbm>> -> memref<4000xi32, #tpu.memory_space<hbm>>
        tpu.wait_dma2 semaphore(%run_scoped3A : memref<!tpu.dma_semaphore, #tpu.memory_space<semaphore_mem>>) src(%dma_wait3A_16 : memref<4000xi32, #tpu.memory_space<hbm>>) dst(%arg5 : memref<4000xi32, #tpu.memory_space<vmem>>)
        tpu.yield
      }) : () -> ()
      "tpu.region"() ({
        %run_scoped3A = tpu.sem_alloc : memref<!tpu.dma_semaphore, #tpu.memory_space<semaphore_mem>>
        %dma_start3A = tpu.memref_slice %arg4[%mul3A_2] : memref<100000xi32, #tpu.memory_space<hbm>> -> memref<4000xi32, #tpu.memory_space<hbm>>
        %dma_start3A_15 = tpu.memref_slice %arg4[%mul3A_2] : memref<100000xi32, #tpu.memory_space<hbm>> -> memref<4000xi32, #tpu.memory_space<hbm>>
        tpu.enqueue_dma source(%arg5 : memref<4000xi32, #tpu.memory_space<vmem>>) target(%dma_start3A_15 : memref<4000xi32, #tpu.memory_space<hbm>>) target_semaphore(%run_scoped3A : memref<!tpu.dma_semaphore, #tpu.memory_space<semaphore_mem>>)
        %dma_wait3A = tpu.memref_slice %arg4[%mul3A_2] : memref<100000xi32, #tpu.memory_space<hbm>> -> memref<4000xi32, #tpu.memory_space<hbm>>
        %dma_wait3A_16 = tpu.memref_slice %arg4[%mul3A_2] : memref<100000xi32, #tpu.memory_space<hbm>> -> memref<4000xi32, #tpu.memory_space<hbm>>
        tpu.wait_dma2 semaphore(%run_scoped3A : memref<!tpu.dma_semaphore, #tpu.memory_space<semaphore_mem>>) src(%arg5 : memref<4000xi32, #tpu.memory_space<vmem>>) dst(%dma_wait3A_16 : memref<4000xi32, #tpu.memory_space<hbm>>)
        tpu.yield
      }) : () -> ()
    } else {
    }
    %eq3A = arith.constant 4 : i32
    %eq3A_5 = arith.cmpi eq, %add3A, %eq3A : i32
    %convert_element_type3A_6 = arith.extui %eq3A_5 : i1 to i32
    %cond3A_7 = arith.constant 0 : i32
    %cond3A_8 = arith.cmpi ne, %convert_element_type3A_6, %cond3A_7 : i32
    scf.if %cond3A_8 {
      "tpu.region"() ({
        %run_scoped3A = tpu.sem_alloc : memref<!tpu.dma_semaphore, #tpu.memory_space<semaphore_mem>>
        %dma_start3A = arith.constant 0 : i32
        %dma_start3A_17 = tpu.memref_slice %arg5[%dma_start3A] : memref<4000xi32, #tpu.memory_space<vmem>> -> memref<384xi32, #tpu.memory_space<vmem>>
        %dma_start3A_18 = tpu.memref_slice %arg2[%mul3A_2] : memref<16384xi32, #tpu.memory_space<hbm>> -> memref<384xi32, #tpu.memory_space<hbm>>
        %dma_start3A_19 = arith.constant 0 : i32
        %dma_start3A_20 = tpu.memref_slice %arg5[%dma_start3A_19] : memref<4000xi32, #tpu.memory_space<vmem>> -> memref<384xi32, #tpu.memory_space<vmem>>
        %dma_start3A_21 = tpu.memref_slice %arg2[%mul3A_2] : memref<16384xi32, #tpu.memory_space<hbm>> -> memref<384xi32, #tpu.memory_space<hbm>>
        tpu.enqueue_dma source(%dma_start3A_21 : memref<384xi32, #tpu.memory_space<hbm>>) target(%dma_start3A_20 : memref<384xi32, #tpu.memory_space<vmem>>) target_semaphore(%run_scoped3A : memref<!tpu.dma_semaphore, #tpu.memory_space<semaphore_mem>>)
        %dma_wait3A = arith.constant 0 : i32
        %dma_wait3A_22 = tpu.memref_slice %arg5[%dma_wait3A] : memref<4000xi32, #tpu.memory_space<vmem>> -> memref<384xi32, #tpu.memory_space<vmem>>
        %dma_wait3A_23 = tpu.memref_slice %arg2[%mul3A_2] : memref<16384xi32, #tpu.memory_space<hbm>> -> memref<384xi32, #tpu.memory_space<hbm>>
        %dma_wait3A_24 = arith.constant 0 : i32
        %dma_wait3A_25 = tpu.memref_slice %arg5[%dma_wait3A_24] : memref<4000xi32, #tpu.memory_space<vmem>> -> memref<384xi32, #tpu.memory_space<vmem>>
        %dma_wait3A_26 = tpu.memref_slice %arg2[%mul3A_2] : memref<16384xi32, #tpu.memory_space<hbm>> -> memref<384xi32, #tpu.memory_space<hbm>>
        tpu.wait_dma2 semaphore(%run_scoped3A : memref<!tpu.dma_semaphore, #tpu.memory_space<semaphore_mem>>) src(%dma_wait3A_26 : memref<384xi32, #tpu.memory_space<hbm>>) dst(%dma_wait3A_25 : memref<384xi32, #tpu.memory_space<vmem>>)
        tpu.yield
      }) : () -> ()
      %add3A_15 = arith.constant 384 : i32
      %add3A_16 = arith.addi %mul3A_2, %add3A_15 : i32
      "tpu.region"() ({
        %run_scoped3A = tpu.sem_alloc : memref<!tpu.dma_semaphore, #tpu.memory_space<semaphore_mem>>
        %dma_start3A = arith.constant 384 : i32
        %dma_start3A_17 = tpu.memref_slice %arg5[%dma_start3A] : memref<4000xi32, #tpu.memory_space<vmem>> -> memref<3616xi32, #tpu.memory_space<vmem>>
        %dma_start3A_18 = tpu.memref_slice %arg3[%add3A_16] : memref<100000xi32, #tpu.memory_space<hbm>> -> memref<3616xi32, #tpu.memory_space<hbm>>
        %dma_start3A_19 = arith.constant 384 : i32
        %dma_start3A_20 = tpu.memref_slice %arg5[%dma_start3A_19] : memref<4000xi32, #tpu.memory_space<vmem>> -> memref<3616xi32, #tpu.memory_space<vmem>>
        %dma_start3A_21 = tpu.memref_slice %arg3[%add3A_16] : memref<100000xi32, #tpu.memory_space<hbm>> -> memref<3616xi32, #tpu.memory_space<hbm>>
        tpu.enqueue_dma source(%dma_start3A_21 : memref<3616xi32, #tpu.memory_space<hbm>>) target(%dma_start3A_20 : memref<3616xi32, #tpu.memory_space<vmem>>) target_semaphore(%run_scoped3A : memref<!tpu.dma_semaphore, #tpu.memory_space<semaphore_mem>>)
        %dma_wait3A = arith.constant 384 : i32
        %dma_wait3A_22 = tpu.memref_slice %arg5[%dma_wait3A] : memref<4000xi32, #tpu.memory_space<vmem>> -> memref<3616xi32, #tpu.memory_space<vmem>>
        %dma_wait3A_23 = tpu.memref_slice %arg3[%add3A_16] : memref<100000xi32, #tpu.memory_space<hbm>> -> memref<3616xi32, #tpu.memory_space<hbm>>
        %dma_wait3A_24 = arith.constant 384 : i32
        %dma_wait3A_25 = tpu.memref_slice %arg5[%dma_wait3A_24] : memref<4000xi32, #tpu.memory_space<vmem>> -> memref<3616xi32, #tpu.memory_space<vmem>>
        %dma_wait3A_26 = tpu.memref_slice %arg3[%add3A_16] : memref<100000xi32, #tpu.memory_space<hbm>> -> memref<3616xi32, #tpu.memory_space<hbm>>
        tpu.wait_dma2 semaphore(%run_scoped3A : memref<!tpu.dma_semaphore, #tpu.memory_space<semaphore_mem>>) src(%dma_wait3A_26 : memref<3616xi32, #tpu.memory_space<hbm>>) dst(%dma_wait3A_25 : memref<3616xi32, #tpu.memory_space<vmem>>)
        tpu.yield
      }) : () -> ()
      "tpu.region"() ({
        %run_scoped3A = tpu.sem_alloc : memref<!tpu.dma_semaphore, #tpu.memory_space<semaphore_mem>>
        %dma_start3A = tpu.memref_slice %arg4[%mul3A_2] : memref<100000xi32, #tpu.memory_space<hbm>> -> memref<4000xi32, #tpu.memory_space<hbm>>
        %dma_start3A_17 = tpu.memref_slice %arg4[%mul3A_2] : memref<100000xi32, #tpu.memory_space<hbm>> -> memref<4000xi32, #tpu.memory_space<hbm>>
        tpu.enqueue_dma source(%arg5 : memref<4000xi32, #tpu.memory_space<vmem>>) target(%dma_start3A_17 : memref<4000xi32, #tpu.memory_space<hbm>>) target_semaphore(%run_scoped3A : memref<!tpu.dma_semaphore, #tpu.memory_space<semaphore_mem>>)
        %dma_wait3A = tpu.memref_slice %arg4[%mul3A_2] : memref<100000xi32, #tpu.memory_space<hbm>> -> memref<4000xi32, #tpu.memory_space<hbm>>
        %dma_wait3A_18 = tpu.memref_slice %arg4[%mul3A_2] : memref<100000xi32, #tpu.memory_space<hbm>> -> memref<4000xi32, #tpu.memory_space<hbm>>
        tpu.wait_dma2 semaphore(%run_scoped3A : memref<!tpu.dma_semaphore, #tpu.memory_space<semaphore_mem>>) src(%arg5 : memref<4000xi32, #tpu.memory_space<vmem>>) dst(%dma_wait3A_18 : memref<4000xi32, #tpu.memory_space<hbm>>)
        tpu.yield
      }) : () -> ()
    } else {
    }
    %gt3A = arith.constant 4 : i32
    %gt3A_9 = arith.cmpi sgt, %add3A, %gt3A : i32
    %lt3A_10 = arith.constant 25 : i32
    %lt3A_11 = arith.cmpi slt, %add3A, %lt3A_10 : i32
    %and3A = arith.andi %gt3A_9, %lt3A_11 : i1
    %convert_element_type3A_12 = arith.extui %and3A : i1 to i32
    %cond3A_13 = arith.constant 0 : i32
    %cond3A_14 = arith.cmpi ne, %convert_element_type3A_12, %cond3A_13 : i32
    scf.if %cond3A_14 {
      "tpu.region"() ({
        %run_scoped3A = tpu.sem_alloc : memref<!tpu.dma_semaphore, #tpu.memory_space<semaphore_mem>>
        %dma_start3A = tpu.memref_slice %arg3[%mul3A_2] : memref<100000xi32, #tpu.memory_space<hbm>> -> memref<4000xi32, #tpu.memory_space<hbm>>
        %dma_start3A_15 = tpu.memref_slice %arg3[%mul3A_2] : memref<100000xi32, #tpu.memory_space<hbm>> -> memref<4000xi32, #tpu.memory_space<hbm>>
        tpu.enqueue_dma source(%dma_start3A_15 : memref<4000xi32, #tpu.memory_space<hbm>>) target(%arg5 : memref<4000xi32, #tpu.memory_space<vmem>>) target_semaphore(%run_scoped3A : memref<!tpu.dma_semaphore, #tpu.memory_space<semaphore_mem>>)
        %dma_wait3A = tpu.memref_slice %arg3[%mul3A_2] : memref<100000xi32, #tpu.memory_space<hbm>> -> memref<4000xi32, #tpu.memory_space<hbm>>
        %dma_wait3A_16 = tpu.memref_slice %arg3[%mul3A_2] : memref<100000xi32, #tpu.memory_space<hbm>> -> memref<4000xi32, #tpu.memory_space<hbm>>
        tpu.wait_dma2 semaphore(%run_scoped3A : memref<!tpu.dma_semaphore, #tpu.memory_space<semaphore_mem>>) src(%dma_wait3A_16 : memref<4000xi32, #tpu.memory_space<hbm>>) dst(%arg5 : memref<4000xi32, #tpu.memory_space<vmem>>)
        tpu.yield
      }) : () -> ()
      "tpu.region"() ({
        %run_scoped3A = tpu.sem_alloc : memref<!tpu.dma_semaphore, #tpu.memory_space<semaphore_mem>>
        %dma_start3A = tpu.memref_slice %arg4[%mul3A_2] : memref<100000xi32, #tpu.memory_space<hbm>> -> memref<4000xi32, #tpu.memory_space<hbm>>
        %dma_start3A_15 = tpu.memref_slice %arg4[%mul3A_2] : memref<100000xi32, #tpu.memory_space<hbm>> -> memref<4000xi32, #tpu.memory_space<hbm>>
        tpu.enqueue_dma source(%arg5 : memref<4000xi32, #tpu.memory_space<vmem>>) target(%dma_start3A_15 : memref<4000xi32, #tpu.memory_space<hbm>>) target_semaphore(%run_scoped3A : memref<!tpu.dma_semaphore, #tpu.memory_space<semaphore_mem>>)
        %dma_wait3A = tpu.memref_slice %arg4[%mul3A_2] : memref<100000xi32, #tpu.memory_space<hbm>> -> memref<4000xi32, #tpu.memory_space<hbm>>
        %dma_wait3A_16 = tpu.memref_slice %arg4[%mul3A_2] : memref<100000xi32, #tpu.memory_space<hbm>> -> memref<4000xi32, #tpu.memory_space<hbm>>
        tpu.wait_dma2 semaphore(%run_scoped3A : memref<!tpu.dma_semaphore, #tpu.memory_space<semaphore_mem>>) src(%arg5 : memref<4000xi32, #tpu.memory_space<vmem>>) dst(%dma_wait3A_16 : memref<4000xi32, #tpu.memory_space<hbm>>)
        tpu.yield
      }) : () -> ()
    } else {
    }
    return
  }
}

module attributes {stable_mosaic.version = 14 : i64} {
  func.func @_fb_body(%arg0: i32, %arg1: memref<8192x128xf32, #tpu.memory_space<vmem>>, %arg2: memref<8192x128xf32, #tpu.memory_space<vmem>>, %arg3: memref<8192x128xf32, #tpu.memory_space<vmem>>) attributes {dimension_semantics = [#tpu.dimension_semantics<arbitrary>], iteration_bounds = array<i64: 13>, scalar_prefetch = 0 : i64, scratch_operands = 0 : i64, tpu.core_type = #tpu.core_type<tc>, window_params = [{transform_indices = @transform_0, window_bounds = array<i64: 8192, 128>}, {transform_indices = @transform_1, window_bounds = array<i64: 8192, 128>}, {transform_indices = @transform_2, window_bounds = array<i64: 8192, 128>}]} {
    %lt3A = arith.constant 2 : i32
    %lt3A_0 = arith.cmpi slt, %arg0, %lt3A : i32
    %convert_element_type3A = arith.extui %lt3A_0 : i1 to i32
    %cond3A = arith.constant 0 : i32
    %cond3A_1 = arith.cmpi ne, %convert_element_type3A, %cond3A : i32
    scf.if %cond3A_1 {
      %get3A = arith.constant 0 : index
      %get3A_6 = arith.constant 0 : index
      %get3A_7 = vector.load %arg1[%get3A, %get3A_6] : memref<8192x128xf32, #tpu.memory_space<vmem>>, vector<8192x128xf32>
      %swap3A = arith.constant 0 : index
      %swap3A_8 = arith.constant 0 : index
      %swap3A_9 = vector.load %arg3[%swap3A, %swap3A_8] : memref<8192x128xf32, #tpu.memory_space<vmem>>, vector<8192x128xf32>
      tpu.vector_store %arg3[%swap3A, %swap3A_8], %get3A_7 {strides = array<i32>} : memref<8192x128xf32, #tpu.memory_space<vmem>>, vector<8192x128xf32>,
    } else {
    }
    %ge3A = arith.constant 2 : i32
    %ge3A_2 = arith.cmpi sge, %arg0, %ge3A : i32
    %convert_element_type3A_3 = arith.extui %ge3A_2 : i1 to i32
    %cond3A_4 = arith.constant 0 : i32
    %cond3A_5 = arith.cmpi ne, %convert_element_type3A_3, %cond3A_4 : i32
    scf.if %cond3A_5 {
      %get3A = arith.constant 0 : index
      %get3A_6 = arith.constant 0 : index
      %get3A_7 = vector.load %arg2[%get3A, %get3A_6] : memref<8192x128xf32, #tpu.memory_space<vmem>>, vector<8192x128xf32>
      %swap3A = arith.constant 0 : index
      %swap3A_8 = arith.constant 0 : index
      %swap3A_9 = vector.load %arg3[%swap3A, %swap3A_8] : memref<8192x128xf32, #tpu.memory_space<vmem>>, vector<8192x128xf32>
      tpu.vector_store %arg3[%swap3A, %swap3A_8], %get3A_7 {strides = array<i32>} : memref<8192x128xf32, #tpu.memory_space<vmem>>, vector<8192x128xf32>,
    } else {
    }
    return
  }
  func.func @transform_0(%arg0: i32) -> (i32, i32) {
    %min3A = arith.constant 1 : i32
    %min3A_0 = arith.minsi %arg0, %min3A : i32
    %c0_i32 = arith.constant 0 : i32
    %c0_i32_1 = arith.constant 0 : i32
    return %min3A_0, %c0_i32 : i32, i32
  }
  func.func @transform_1(%arg0: i32) -> (i32, i32) {
    %max3A = arith.constant 2 : i32
    %max3A_0 = arith.maxsi %arg0, %max3A : i32
    %c0_i32 = arith.constant 0 : i32
    %c0_i32_1 = arith.constant 0 : i32
    return %max3A_0, %c0_i32 : i32, i32
  }
  func.func @transform_2(%arg0: i32) -> (i32, i32) {
    %c0_i32 = arith.constant 0 : i32
    %c0_i32_0 = arith.constant 0 : i32
    return %arg0, %c0_i32 : i32, i32
  }
}

</mosaic_0001>

<sc_bundles>
// kernel: kernel.4.cloned.1.call-start
scs
__scs_entry_jumppad:
0x0: {  	(pc) =	sbr.rel $0x88, $3  }
0x1: {  	(tag) =	ssettag $0x0;
	lr =	simm.s32 $0x1  }
0x2: {  	[smem:$0x3F9D] =	sst lr;
	_ =	strace $0xD0000000  }
0x3: {  	_ = 	snop  }
0x4: {  	_ = 	snop  }
0x5: {  	_ = 	snop  }
0x6: {  	_ = 	snop  }
0x7: {  	_ = 	snop  }
__scs_overlays_trampoline_lowered:
0x8: {  	[smem:$0x3FAC] =	sst s0  }
0x9: {  	[smem:$0x3FAD] =	sst s1  }
0xa: {  	[smem:$0x3FAE] =	sst s2  }
0xb: {  	[smem:$0x3FAF] =	sst s3  }
0xc: {  	[smem:$0x3FB0] =	sst s4  }
0xd: {  	[smem:$0x3FB1] =	sst s5  }
0xe: {  	[smem:$0x3FB2] =	sst s6  }
0xf: {  	[smem:$0x3FB3] =	sst s7  }
0x10: {  	[smem:$0x3FB4] =	sst s8  }
0x11: {  	[smem:$0x3FB5] =	sst s9;
	s0 =	simm.s32 @!p0 $0x0  }
0x12: {  	s1 =	sld [smem:$0x3F9B];
	s0 =	simm.s32 @p0 $0x1  }
0x13: {  	[smem:$0x3FB6] =	sst s0;
	s0 =	simm.s32 @!p1 $0x0  }
0x14: {  	s2 =	sld [smem:$0x3F9A];
	s0 =	simm.s32 @p1 $0x1  }
0x15: {  	[smem:$0x3FB7] =	sst s0;
	s0 =	simm.s32 @!p2 $0x0  }
0x16: {  	s3 =	sld [smem:$0x3FDB];
	s0 =	simm.s32 @p2 $0x1  }
0x17: {  	s4 =	simm.s32 $0x1BF5;
	[smem:$0x3FB9] =	sst s0  }
0x18: {  	s0 =	sld [smem:$0x3F9C];
	_ =	swait.ge [sflag:s4], $0x0  }
0x19: {  	s7 =	sld [smem:$0x3F9D]  }
0x1a: {  	s8 =	sadd.s32 $0xFFFFE003, lr  }
0x1b: {  	s9 =	sadd.s32 $0xFFFFFEF7, lr;
	s5 =	simm.s32 $0xFFFFFFFF;
	p2 =	slt.u32 s8, $0xFFFFF086  }
0x1c: {  	p1 =	slt.u32 s9, $0xF7A;
	s5 =	simm.s32 @!p2 $0x0  }
0x1d: {  	s5 =	simm.s32 @p1 $0x1;
	p0 =	seq.s32 s7, s2  }
0x1e: {  	s7 =	smul.u32 @!p0 $0xF7A, s2;
	p2 =	seq.s32 @!p0 s5, $0x0  }
0x1f: {  	s9 =	smul.u32 $0xF7A, s1;
	s8 =	simm.s32 @!p0 $0x1BF5;
	p2 =	por !p2, p0  }
0x20: {  	[sflag:s8] =	ssyncset.s32 @!p0 $0xFFFFF086;
	s6 =	sadd.s32 @!p0 s3, s7;
	s7 =	simm.s32 @!p0 $0x108  }
0x21: {  	s3 =	sadd.s32 s3, s9;
	s6 =	sadd.s32 @!p0 $0x88, s6;
	s7 =	simm.s32 @p2 $0x1082  }
0x22: {  	[simem:s7], [sflag:s8] =	dma.local @!p0 [hbm:s6], $0xF7A  }
0x23: {  	s9 =	sor.u32 $0xD0000000, s2;
	s6 =	simm.s32 $0x108;
	_ =	swait.ge @!p0 [sflag:s8], $0x0  }
0x24: {  	s3 =	sadd.s32 $0x88, s3;
	s6 =	simm.s32 @!p1 $0x1082;
	[sflag:s4] =	ssyncset.s32 $0xFFFFF086  }
0x25: {  	[simem:s6], [sflag:s4] =	dma.local [hbm:s3], $0xF7A  }
0x26: {  	[smem:$0x3F9D] =	sst s1;
	(tag) =	ssettag s2;
	_ =	strace s9  }
0x27: {  	s1 =	sld [smem:$0x3FAD]  }
0x28: {  	s2 =	sld [smem:$0x3FAE]  }
0x29: {  	s4 =	sld [smem:$0x3FB0]  }
0x2a: {  	p0 =	seq.s32 s5, $0x0;
	s5 =	sld [smem:$0x3FB1]  }
0x2b: {  	s6 =	sld [smem:$0x3FB2]  }
0x2c: {  	s7 =	sld [smem:$0x3FB3]  }
0x2d: {  	s3 =	simm.s32 $0x108;
	s8 =	sld [smem:$0x3FB4]  }
0x2e: {  	s3 =	simm.s32 @!p0 $0x1082;
	s9 =	sld [smem:$0x3FB5]  }
0x2f: {  	lr =	sadd.s32 s0, s3;
	s0 =	sld [smem:$0x3FAC]  }
0x30: {  	s3 =	sld [smem:$0x3FAF]  }
0x31: {  	[smem:$0x3FB8] =	sst s10  }
0x32: {  	s10 =	sld [smem:$0x3FB6];
	_ =	sdelay $0x3  }
0x33: {  	p0 =	seq.s32 s10, $0x1;
	s10 =	sld [smem:$0x3FB8];
	_ =	sdelay $0x3  }
0x34: {  	[smem:$0x3FB8] =	sst s10  }
0x35: {  	s10 =	sld [smem:$0x3FB7];
	_ =	sdelay $0x3  }
0x36: {  	p1 =	seq.s32 s10, $0x1;
	s10 =	sld [smem:$0x3FB8];
	_ =	sdelay $0x3  }
0x37: {  	[smem:$0x3FB8] =	sst s10  }
0x38: {  	s10 =	sld [smem:$0x3FB9]  }
0x39: {  	_ = 	snop;
	(pc) =	sbr.ind lr, $3  }
0x3a: {  	_ = 	snop  }
0x3b: {  	_ = 	snop  }
0x3c: {  	p2 =	seq.s32 s10, $0x1;
	s10 =	sld [smem:$0x3FB8]  }
0x3d: {  	_ =	shalt  }
0x3e: {  	_ =	shalt  }
0x3f: {  	_ =	shalt  }
0x40: {  	_ =	shalt  }
0x41: {  	_ =	shalt  }
0x42: {  	_ =	shalt  }
0x43: {  	_ =	shalt  }
0x44: {  	_ =	shalt  }
0x45: {  	_ =	shalt  }
0x46: {  	_ =	shalt  }
0x47: {  	_ =	shalt  }
0x48: {  	_ =	shalt  }
0x49: {  	_ =	shalt  }
0x4a: {  	_ =	shalt  }
0x4b: {  	_ =	shalt  }
0x4c: {  	_ =	shalt  }
0x4d: {  	_ =	shalt  }
0x4e: {  	_ =	shalt  }
0x4f: {  	_ =	shalt  }
0x50: {  	_ =	shalt  }
0x51: {  	_ =	shalt  }
0x52: {  	_ =	shalt  }
0x53: {  	_ =	shalt  }
0x54: {  	_ =	shalt  }
0x55: {  	_ =	shalt  }
0x56: {  	_ =	shalt  }
0x57: {  	_ =	shalt  }
0x58: {  	_ =	shalt  }
0x59: {  	_ =	shalt  }
0x5a: {  	_ =	shalt  }
0x5b: {  	_ =	shalt  }
0x5c: {  	_ =	shalt  }
0x5d: {  	_ =	shalt  }
0x5e: {  	_ =	shalt  }
0x5f: {  	_ =	shalt  }
0x60: {  	_ =	shalt  }
0x61: {  	_ =	shalt  }
0x62: {  	_ =	shalt  }
0x63: {  	_ =	shalt  }
0x64: {  	_ =	shalt  }
0x65: {  	_ =	shalt  }
0x66: {  	_ =	shalt  }
0x67: {  	_ =	shalt  }
0x68: {  	_ =	shalt  }
0x69: {  	_ =	shalt  }
0x6a: {  	_ =	shalt  }
0x6b: {  	_ =	shalt  }
0x6c: {  	_ =	shalt  }
0x6d: {  	_ =	shalt  }
0x6e: {  	_ =	shalt  }
0x6f: {  	_ =	shalt  }
0x70: {  	_ =	shalt  }
0x71: {  	_ =	shalt  }
0x72: {  	_ =	shalt  }
0x73: {  	_ =	shalt  }
0x74: {  	_ =	shalt  }
0x75: {  	_ =	shalt  }
0x76: {  	_ =	shalt  }
0x77: {  	_ =	shalt  }
0x78: {  	_ =	shalt  }
0x79: {  	_ =	shalt  }
0x7a: {  	_ =	shalt  }
0x7b: {  	_ =	shalt  }
0x7c: {  	_ =	shalt  }
0x7d: {  	_ =	shalt  }
0x7e: {  	_ =	shalt  }
0x7f: {  	_ =	shalt  }
0x80: {  	_ =	shalt  }
0x81: {  	_ =	shalt  }
0x82: {  	_ =	shalt  }
0x83: {  	_ =	shalt  }
0x84: {  	_ =	shalt  }
0x85: {  	_ =	shalt  }
0x86: {  	_ =	shalt  }
0x87: {  	_ =	shalt  }
.Lfunc_end0:
.L_simem_size_0:
called_computation_lowered:
.L_overlay_start_0:
0x88: {  	s2 =	sld [smem:$0x3FD9]  }
0x89: {  	s3 =	sld [smem:$0x3FFE];
	_ =	sdelay $0x1  }
0x8a: {  	s1 =	srdreg.scid  }
0x8b: {  	s0 =	sand.u32 $0x1, s1  }
0x8c: {  	s15 =	sshll.u32 s0, $0xA;
	s2 =	sadd.s32 s3, s2  }
0x8d: {  	s2 =	sadd.s32 s2, s15  }
0x8e: {  	[smem:$0x3FC4] =	sst s2  }
0x8f: {  	_ = 	snop  }
0x90: {  	s2 =	sld [smem:$0x3FD0];
	_ =	sdelay $0x1  }
0x91: {  	s16 =	sld [smem:$0x3FC8]  }
0x92: {  	s5 =	simm.s32 $0xA;
	s6 =	simm.s32 $0x10;
	s4 =	sld [smem:$0x3FC6]  }
0x93: {  	[smem:s6], [sflag:s5] =	dma.local [hbm:s2], $0x1  }
0x94: {  	_ =	swait.eq [sflag:s5], $0x1  }
0x95: {  	[sflag:s5] =	ssyncset.done $0x0  }
0x96: {  	[sflag:s5] =	ssyncadd.s32 $0xFFFFFFFF  }
0x97: {  	s17 =	sld [smem:$0x11];
	(tm) =	ssettm $0x1  }
0x98: {  	s18 =	sld [smem:$0x3FFB];
	_ =	sdelay $0x3  }
0x99: {  	_ =	strace s18  }
0x9a: {  	s5 =	sld [smem:$0x3FFC];
	_ =	sdelay $0x3  }
0x9b: {  	_ =	strace s5  }
0x9c: {  	s5 =	sld [smem:$0x3FFD];
	_ =	sdelay $0x3  }
0x9d: {  	_ =	strace s5  }
0x9e: {  	_ =	strace $0x8FFFFFFF  }
0x9f: {  	s19 =	sld [smem:$0x3FDB];
	_ =	sdelay $0x1  }
0xa0: {  	s20 =	simm.s32 $_scs_section_size  }
0xa1: {  	s7 =	simm.s32 $_size__tile_overlayer_lowered;
	s8 =	simm.s32 $_tile_overlayer_lowered  }
0xa2: {  	s23 =	simm.s32 $0x1BFF;
	s22 =	sshll.u32 s8, $0x1;
	s5 =	sadd.s32 s20, s19  }
0xa3: {  	s9 =	simm.s32 $0x0;
	s21 =	sshll.u32 s7, $0x1;
	s7 =	sadd.s32 s22, s5  }
0xa4: {  	[timem:s9], [sflag:s23] =	dma.local [hbm:s7], s21  }
0xa5: {  	_ =	swait.ge [sflag:s23], s21  }
0xa6: {  	s6 =	ssub.s32 $0x0, s21;
	[sflag:s23] =	ssyncset.done $0x0  }
0xa7: {  	[sflag:s23] =	ssyncadd.s32 s6;
	_ =	sdelay $0x1  }
0xa8: {  	s24 =	simm.s32 $0x1B8B  }
0xa9: {  	_ =	swait.ge [sflag:s24], $0x1  }
0xaa: {  	[sflag:s24] =	ssyncset.done $0x0  }
0xab: {  	s25 =	simm.s32 $0x1B8E;
	[sflag:s24] =	ssyncadd.s32 $0xFFFFFFFF  }
0xac: {  	s26 =	simm.s32 $execute0_lowered;
	[smem:$0x3FD2] =	sst s25  }
0xad: {  	s6 =	sshll.u32 s26, $0x1;
	_ =	strace $0x80000046;
	[dreg:$0x1] =	wrdreg $0xFFFFFFFF  }
0xae: {  	s28 =	simm.s32 $_size_execute0_lowered;
	s5 =	sadd.s32 s5, s6;
	[dreg:$0x0] =	wrdreg $0x0  }
0xaf: {  	s6 =	sshll.u32 s28, $0x1;
	[dreg:$0x2] =	wrdreg s5  }
0xb0: {  	[dreg:$0x3] =	wrdreg s6  }
0xb1: {  	[dreg:$0x4] =	wrdreg $0xC0  }
0xb2: {  	_ =	task [dreg:s9], $0x5FFFF  }
0xb3: {  	[dreg:$0x1] =	wrdreg $0xFFFFFFFF  }
0xb4: {  	[dreg:$0x0] =	wrdreg $0x60  }
0xb5: {  	[dreg:$0x2] =	wrdreg s16  }
0xb6: {  	[dreg:$0x3] =	wrdreg s4  }
0xb7: {  	[dreg:$0x4] =	wrdreg s17  }
0xb8: {  	[dreg:$0x5] =	wrdreg $0x9  }
0xb9: {  	_ =	task.clear_ibuf [dreg:s9], $0x6FFFF;
	_ =	strace $0x90000046  }
0xba: {  	s29 =	simm.s32 $0x9;
	_ =	strace $0x80000048  }
0xbb: {  	_ =	swait.ge [sflag:s29], $0x1  }
0xbc: {  	[sflag:s29] =	ssyncadd.s32 $0xFFFFFFFF  }
0xbd: {  	_ =	strace $0x90000048  }
0xbe: {  	_ =	sfence  }
0xbf: {  	s30 =	sld [smem:$0x0];
	_ =	sdelay $0x2  }
0xc0: {  	s31 =	sshll.u32 s1, $0xD;
	s1 =	sshrl.u32 s1, $0x2  }
0xc1: {  	s3 =	sand.u32 $0x4000, s31;
	s1 =	sadd.s32 s1, s30  }
0xc2: {  	s0 =	sor.u32 s3, s0;
	s1 =	sshll.u32 s1, $0x11  }
0xc3: {  	s0 =	sor.u32 s1, s0  }
0xc4: {  	s0 =	sadd.s32 $0x8F2B, s0  }
0xc5: {  	[sflag:s0] =	ssyncadd.remote.s32 $0x1  }
0xc6: {  	_ =	sfence.sel $0xFFFF  }
0xc7: {  	[dreg:$0x0] =	wrdreg $0xFFFFFFFF;
	(pc) =	sbr.abs _section_cstart, $3  }
0xc8: {  	[dreg:$0x1] =	wrdreg $0xFFFFFFFF  }
0xc9: {  	_ =	task.clear_ibuf [dreg:s9], $0x2FFFF;
	_ =	strace $0x9FFFFFFF  }
0xca: {  	(tm) =	ssettm $0x7FFFFFFF  }
0xcb: {  	_ =	shalt  }
tec
execute0_lowered:
.L_overlay_start_1:
0x0: {  	(tag) =	ssettag $0x1  }
0x1: {  	s6 =	rddreg [dreg:$0x0]  }
0x2: {  	s7 =	rddreg [dreg:$0x1];
	s1 =	srdreg.scid  }
0x3: {  	s0 =	stileid.u32;
	s8 =	rddreg [dreg:$0x2];
	s11 =	simm.s32 $0x180  }
0x4: {  	s3 =	sand.u32 $0x1, s1;
	s2 =	sshll.u32 s0, $0x1;
	s1 =	rddreg [dreg:$0x3]  }
0x5: {  	p0 =	sgt.u32 s0, $0x1;
	s10 =	sor.u32 s3, s2;
	s2 =	simm.s32 $0x0  }
0x6: {  	s3 =	ssub.s32 $0x2, s3;
	s5 =	smul.u32 $0x1F4, s10;
	[smem:$0x7FF] =	sst s2  }
.Ltmp0:
0x7: {  	s4 =	sshrl.u32 s3, $0x1;
	s12 =	sadd.s32 $0xFFFFFFFB, s10;
	(pc) =	sbr.rel .LBB2_1-.Ltmp0, $4  }
0x8: {  	p1 =	sne.s32 s10, $0x4;
	s10 =	simm.s32 $0x1;
	_ =	strace $0x80000047  }
0x9: {  	s9 =	ssub.s32 s3, s4;
	p2 =	sgt.u32 s12, $0x13;
	s3 =	sadd.s32 s6, s5  }
0xa: {  	s4 =	sadd.s32 s8, s5;
	s5 =	sadd.s32 s7, s5;
	s6 =	sadd.s32 $0x7D0, s6  }
0xb: {  	s7 =	sadd.s32 $0x800, s7;
	s8 =	sadd.s32 $0x7D0, s8;
	s9 =	smax.u32 s9, $0x1  }
.LBB2_2:
0xc: {  	[tilespmem:s2], [sflag:$0x1] =	stream.linear.gather [hbm4b:s6+s2], $0x180, $0x38;
	[tilespmem:$0x1000] =	vst v63  }
0xd: {  	_ =	swait.ge [sflag:s10], $0x180  }
0xe: {  	[sflag:s10] =	ssyncset.done $0x0  }
0xf: {  	[sflag:s10] =	ssyncadd.s32 $0xFFFFFE80  }
0x10: {  	[tilespmem:s11], [sflag:$0x1] =	stream.linear.gather [hbm4b:s7+s2], $0xE20, $0x38;
	[tilespmem:$0x1000] =	vst v63  }
0x11: {  	_ =	swait.ge [sflag:s10], $0xE20  }
0x12: {  	[sflag:s10] =	ssyncset.done $0x0  }
0x13: {  	s12 =	smov.u32 s8;
	[sflag:s10] =	ssyncadd.s32 $0xFFFFF1E0  }
.LBB2_5:
0x14: {  	[hbm4b:s12+s2] =	stream.linear.scatter [tilespmem:s2], [sflag:$0x1], $0xFA0, $0x38;
	[tilespmem:$0x1000] =	vst v63  }
0x15: {  	_ =	swait.ge [sflag:s10], $0xFA0  }
0x16: {  	[sflag:s10] =	ssyncset.done $0x0  }
0x17: {  	[sflag:s10] =	ssyncadd.s32 $0xFFFFF060  }
.LBB2_6:
0x18: {  	s9 =	sadd.s32 $0xFFFFFFFF, s9  }
0x19: {  	p3 =	sne.s32 s9, $0x0  }
.Ltmp1:
0x1a: {  	_ = 	snop;
	(pc) =	sbr.rel @!p3 .LBB2_7-.Ltmp1, $1  }
0x1b: {  	_ =	sdelay $0x3  }
.LBB2_1:
0x1c: {  	s12 =	simm.s32 @!p0 $0x0;
	s13 =	simm.s32 @!p0 $0x1  }
0x1d: {  	[tilespmem:s12], [sflag:$0x1] =	stream.linear.gather @!p0 [hbm4b:s3+s12], $0xFA0, $0x38;
	[tilespmem:$0x1000] =	vst v63  }
0x1e: {  	_ =	swait.ge @!p0 [sflag:s13], $0xFA0  }
0x1f: {  	[sflag:s13] =	ssyncset.done @!p0 $0x0  }
.Ltmp2:
0x20: {  	[sflag:s13] =	ssyncadd.s32 @!p0 $0xFFFFF060;
	(pc) =	sbr.rel @!p1 .LBB2_2-.Ltmp2, $4  }
0x21: {  	[hbm4b:s4+s12] =	stream.linear.scatter @!p0 [tilespmem:s12], [sflag:$0x1], $0xFA0, $0x38;
	[tilespmem:$0x1000] =	vst v63  }
0x22: {  	_ =	swait.ge @!p0 [sflag:s13], $0xFA0  }
0x23: {  	[sflag:s13] =	ssyncset.done @!p0 $0x0  }
0x24: {  	[sflag:s13] =	ssyncadd.s32 @!p0 $0xFFFFF060  }
.Ltmp3:
0x25: {  	(pc) =	sbr.rel @p2 .LBB2_6-.Ltmp3, $1  }
0x26: {  	_ =	sdelay $0x3  }
.Ltmp4:
0x27: {  	(pc) =	sbr.rel .LBB2_5-.Ltmp4, $4  }
0x28: {  	[tilespmem:s2], [sflag:$0x1] =	stream.linear.gather [hbm4b:s5+s2], $0xFA0, $0x38;
	[tilespmem:$0x1000] =	vst v63  }
0x29: {  	_ =	swait.ge [sflag:s10], $0xFA0  }
0x2a: {  	[sflag:s10] =	ssyncset.done $0x0  }
0x2b: {  	s12 =	smov.u32 s4;
	[sflag:s10] =	ssyncadd.s32 $0xFFFFF060  }
.LBB2_7:
0x2c: {  	_ =	sfence.sel $0x180000  }
0x2d: {  	[bflag:$0x0] =	sbarrier.arrive $0xFFFF  }
0x2e: {  	p0 =	sne.s32 s0, $0x0;
	_ =	strace $0x90000047  }
0x2f: {  	s0 =	sadd.s32 @!p0 $0x100000, s1;
	[bflag:$0x2] =	sbarrier.arrive $0xFFFF  }
0x30: {  	[sflag:s0] =	ssyncadd.tile.s32 @!p0 $0x1;
	_ =	shalt  }
.Lfunc_end2:
_tile_overlayer_lowered:
.L_overlay_start_2:
0x31: {  	(tag) =	ssettag $0x2  }
0x32: {  	s0 =	rddreg [dreg:$0x0];
	s2 =	stileid.u32  }
0x33: {  	s1 =	rddreg [dreg:$0x1];
	p0 =	sne.s32 s2, $0x0  }
0x34: {  	s3 =	rddreg [dreg:$0x2];
	[bflag:$0x3] =	sbarrier.arrive $0xFFFF;
	s2 =	simm.s32 @!p0 $0x1C01  }
0x35: {  	[timem:s3], [sflag:s2] =	dma.local @!p0 [hbm:s0], s1  }
0x36: {  	s0 =	simm.s32 @!p0 $0x1  }
0x37: {  	_ =	swait.ge @!p0 [sflag:s0], s1  }
0x38: {  	s1 =	ssub.s32 @!p0 $0x0, s1;
	[sflag:s0] =	ssyncset.done @!p0 $0x0  }
0x39: {  	[sflag:s0] =	ssyncadd.s32 @!p0 s1  }
0x3a: {  	[bflag:$0x3] =	sbarrier.arrive $0xFFFF  }
0x3b: {  	_ =	shalt  }

</sc_bundles>
